<compile_context>
chip_gen: v7x
topology: tpu7x:2x2x1
jax: 0.10.2.dev20260603
libtpu: 0.0.44.dev20260713+nightly
codegen_flags: <defaults>
</compile_context>

<pallas_src>
import jax
import jax.numpy as jnp
import numpy as np
from jax import lax
from jax.experimental import pallas as pl
from jax.experimental.pallas import tpu as pltpu
from jax.experimental.pallas import tpu_sc as plsc

_NC = 2
_NS = 16
_NW = _NC * _NS
_L = 16
_CHROWS = 32
_NVEC_SHIFT = 5
_INV = np.float32(255.0 / (2.0 * np.pi))
_HALF = np.float32(0.5)
_LO = np.float32(0.0)
_HI = np.float32(255.0)


def _bucketize_body(x_hbm, lut_hbm, out_hbm, lut_v,
                    xb0, xb1, ob0, ob1, si0, si1, so0, so1):
    wid = lax.axis_index("s") * _NC + lax.axis_index("c")
    ncols = x_hbm.shape[1]
    rows_per_w = x_hbm.shape[0] // _NW
    row0 = wid * rows_per_w
    nch = rows_per_w // _CHROWS
    nvec = ncols // _L
    assert nvec == 1 << _NVEC_SHIFT
    pltpu.sync_copy(lut_hbm, lut_v)

    xbs, obs, sis, sos = (xb0, xb1), (ob0, ob1), (si0, si1), (so0, so1)

    def in_slice(idx):
        return x_hbm.at[pl.ds(row0 + idx * _CHROWS, _CHROWS), :]

    def out_slice(idx):
        return out_hbm.at[pl.ds(row0 + idx * _CHROWS, _CHROWS), :]

    pltpu.async_copy(in_slice(0), xb0, si0)
    pltpu.async_copy(in_slice(1), xb1, si1)

    def pair(g, carry):
        for b in range(2):
            idx = g * 2 + b
            xb, ob, si, so = xbs[b], obs[b], sis[b], sos[b]
            pltpu.make_async_copy(in_slice(idx), xb, si).wait()

            @pl.when(idx >= 2)
            def _drain_out():
                pltpu.make_async_copy(ob, out_slice(idx - 2), so).wait()

            @plsc.parallel_loop(0, _CHROWS * nvec, step=1, unroll=8)
            def _compute(v):
                row = lax.shift_right_logical(v, _NVEC_SHIFT)
                col = lax.shift_left(jnp.bitwise_and(v, nvec - 1), 4)
                xv = xb[row, pl.ds(col, _L)]
                t = xv * _INV + _HALF
                tc = jnp.minimum(jnp.maximum(t, _LO), _HI)
                r = tc.astype(jnp.int32)
                lv = plsc.load_gather(lut_v, [r])
                ob[row, pl.ds(col, _L)] = jnp.where(lv < xv, r + 1, r)

            pltpu.async_copy(ob, out_slice(idx), so)

            @pl.when(idx + 2 < nch)
            def _prefetch():
                pltpu.async_copy(in_slice(idx + 2), xb, si)

        return carry

    lax.fori_loop(0, nch // 2, pair, 0)
    pltpu.make_async_copy(ob0, out_slice(nch - 2), so0).wait()
    pltpu.make_async_copy(ob1, out_slice(nch - 1), so1).wait()


def kernel(x, phase_lut):
    nrows, ncols = x.shape
    assert nrows % (_NW * _CHROWS) == 0 and ncols % _L == 0
    assert phase_lut.shape == (256,)
    mesh = plsc.VectorSubcoreMesh(
        core_axis_name="c", subcore_axis_name="s",
        num_cores=_NC, num_subcores=_NS,
    )
    return pl.kernel(
        _bucketize_body,
        out_type=jax.ShapeDtypeStruct((nrows, ncols), jnp.int32),
        mesh=mesh,
        scratch_types=[
            pltpu.VMEM((256,), jnp.float32),
            pltpu.VMEM((_CHROWS, ncols), jnp.float32),
            pltpu.VMEM((_CHROWS, ncols), jnp.float32),
            pltpu.VMEM((_CHROWS, ncols), jnp.int32),
            pltpu.VMEM((_CHROWS, ncols), jnp.int32),
            pltpu.SemaphoreType.DMA,
            pltpu.SemaphoreType.DMA,
            pltpu.SemaphoreType.DMA,
            pltpu.SemaphoreType.DMA,
        ],
        compiler_params=pltpu.CompilerParams(
            needs_layout_passes=False,
        ),
    )(x, phase_lut)

# --- scband reference (transcript-rebuilt; emitter-appended) ---
"""Pipeline reference for scband-discrete-decision-engine-89644557402532 (READ-ONLY COPY).

The authoritative reference and input builder live on the scoring server;
editing this copy changes nothing except your own understanding.
"""

import jax, jax.numpy as jnp
import numpy as np


def setup_inputs(seed: int = 0) -> dict:
    key = jax.random.key(seed)
    # x: activations entering the discrete decision engine. Spread values across
    # the full [0, 2*pi] boundary range (with slight overhang) so every bucket is hit.
    x = jax.random.uniform(
        jax.random.fold_in(key, 0), (32768, 512), dtype=jnp.float32,
        minval=-0.5, maxval=2.0 * np.pi + 0.5,
    )
    # Registered buffer from __init__: torch.linspace(0, 2*pi, num_phases=256)
    phase_lut = jnp.linspace(0.0, 2.0 * np.pi, 256, dtype=jnp.float32)
    return {"x": x, "phase_lut": phase_lut}


def reference(x, phase_lut):
    # torch.bucketize(x, boundaries) with default right=False returns, for each
    # element v, the smallest index i such that v <= boundaries[i].
    # This is exactly searchsorted with side='left' on the sorted boundary LUT.
    return jnp.searchsorted(phase_lut, x, side='left')

if __name__ == "__main__":
    import jax
    _d = setup_inputs()
    print(jax.jit(kernel)(*tuple(_d.values())))

</pallas_src>

<mosaic_0001>
#map = affine_map<(d0, d1) -> (0, 0)>
#map1 = affine_map<(d0, d1) -> (0)>
module attributes {stable_mosaic.version = 14 : i64} {
  func.func @_bucketize_body(%arg0: i32, %arg1: i32, %arg2: memref<32768x512xf32, #tpu.memory_space<hbm>>, %arg3: memref<256xf32, #tpu.memory_space<hbm>>, %arg4: memref<32768x512xi32, #tpu.memory_space<hbm>>, %arg5: memref<256xf32, #tpu.memory_space<vmem>>, %arg6: memref<32x512xf32, #tpu.memory_space<vmem>>, %arg7: memref<32x512xf32, #tpu.memory_space<vmem>>, %arg8: memref<32x512xi32, #tpu.memory_space<vmem>>, %arg9: memref<32x512xi32, #tpu.memory_space<vmem>>, %arg10: memref<!tpu.dma_semaphore, #tpu.memory_space<semaphore_mem>>, %arg11: memref<!tpu.dma_semaphore, #tpu.memory_space<semaphore_mem>>, %arg12: memref<!tpu.dma_semaphore, #tpu.memory_space<semaphore_mem>>, %arg13: memref<!tpu.dma_semaphore, #tpu.memory_space<semaphore_mem>>) attributes {dimension_semantics = [#tpu.dimension_semantics<core_parallel>, #tpu.dimension_semantics<subcore_parallel>], iteration_bounds = array<i64: 2, 16>, scalar_prefetch = 0 : i64, scratch_operands = 9 : i64, tpu.core_type = #tpu.core_type<sc_vector_subcore>, window_params = [{transform_indices = #map}, {transform_indices = #map1}, {transform_indices = #map}]} {
    %mul3A = arith.constant 2 : i32
    %mul3A_0 = arith.muli %arg1, %mul3A : i32
    %add3A = arith.addi %mul3A_0, %arg0 : i32
    %mul3A_1 = arith.constant 1024 : i32
    %mul3A_2 = arith.muli %add3A, %mul3A_1 : i32
    "tpu.region"() ({
      %run_scoped3A = tpu.sem_alloc : memref<!tpu.dma_semaphore, #tpu.memory_space<semaphore_mem>>
      tpu.enqueue_dma source(%arg3 : memref<256xf32, #tpu.memory_space<hbm>>) target(%arg5 : memref<256xf32, #tpu.memory_space<vmem>>) target_semaphore(%run_scoped3A : memref<!tpu.dma_semaphore, #tpu.memory_space<semaphore_mem>>)
      tpu.wait_dma2 semaphore(%run_scoped3A : memref<!tpu.dma_semaphore, #tpu.memory_space<semaphore_mem>>) src(%arg3 : memref<256xf32, #tpu.memory_space<hbm>>) dst(%arg5 : memref<256xf32, #tpu.memory_space<vmem>>)
      tpu.yield
    }) : () -> ()
    %add3A_3 = arith.constant 0 : i32
    %add3A_4 = arith.addi %mul3A_2, %add3A_3 : i32
    %dma_start3A = arith.constant 0 : i32
    %dma_start3A_5 = tpu.memref_slice %arg2[%add3A_4, %dma_start3A] : memref<32768x512xf32, #tpu.memory_space<hbm>> -> memref<32x512xf32, #tpu.memory_space<hbm>>
    %dma_start3A_6 = arith.constant 0 : i32
    %dma_start3A_7 = tpu.memref_slice %arg2[%add3A_4, %dma_start3A_6] : memref<32768x512xf32, #tpu.memory_space<hbm>> -> memref<32x512xf32, #tpu.memory_space<hbm>>
    tpu.enqueue_dma source(%dma_start3A_7 : memref<32x512xf32, #tpu.memory_space<hbm>>) target(%arg6 : memref<32x512xf32, #tpu.memory_space<vmem>>) target_semaphore(%arg10 : memref<!tpu.dma_semaphore, #tpu.memory_space<semaphore_mem>>)
    %add3A_8 = arith.constant 32 : i32
    %add3A_9 = arith.addi %mul3A_2, %add3A_8 : i32
    %dma_start3A_10 = arith.constant 0 : i32
    %dma_start3A_11 = tpu.memref_slice %arg2[%add3A_9, %dma_start3A_10] : memref<32768x512xf32, #tpu.memory_space<hbm>> -> memref<32x512xf32, #tpu.memory_space<hbm>>
    %dma_start3A_12 = arith.constant 0 : i32
    %dma_start3A_13 = tpu.memref_slice %arg2[%add3A_9, %dma_start3A_12] : memref<32768x512xf32, #tpu.memory_space<hbm>> -> memref<32x512xf32, #tpu.memory_space<hbm>>
    tpu.enqueue_dma source(%dma_start3A_13 : memref<32x512xf32, #tpu.memory_space<hbm>>) target(%arg7 : memref<32x512xf32, #tpu.memory_space<vmem>>) target_semaphore(%arg11 : memref<!tpu.dma_semaphore, #tpu.memory_space<semaphore_mem>>)
    %scan3A = arith.constant 0 : i32
    %scan3A_14 = arith.constant 0 : i32
    %scan3A_15 = arith.constant 16 : i32
    %scan3A_16 = arith.addi %scan3A_14, %scan3A_15 : i32
    %scan3A_17 = arith.constant 1 : i32
    scf.for %scan3A_30 = %scan3A_14 to %scan3A_16 step %scan3A_17  : i32 {
      %mul3A_31 = arith.constant 2 : i32
      %mul3A_32 = arith.muli %scan3A_30, %mul3A_31 : i32
      %add3A_33 = arith.constant 0 : i32
      %add3A_34 = arith.addi %mul3A_32, %add3A_33 : i32
      %mul3A_35 = arith.constant 32 : i32
      %mul3A_36 = arith.muli %add3A_34, %mul3A_35 : i32
      %add3A_37 = arith.addi %mul3A_2, %mul3A_36 : i32
      %dma_wait3A_38 = arith.constant 0 : i32
      %dma_wait3A_39 = tpu.memref_slice %arg2[%add3A_37, %dma_wait3A_38] : memref<32768x512xf32, #tpu.memory_space<hbm>> -> memref<32x512xf32, #tpu.memory_space<hbm>>
      %dma_wait3A_40 = arith.constant 0 : i32
      %dma_wait3A_41 = tpu.memref_slice %arg2[%add3A_37, %dma_wait3A_40] : memref<32768x512xf32, #tpu.memory_space<hbm>> -> memref<32x512xf32, #tpu.memory_space<hbm>>
      tpu.wait_dma2 semaphore(%arg10 : memref<!tpu.dma_semaphore, #tpu.memory_space<semaphore_mem>>) src(%dma_wait3A_41 : memref<32x512xf32, #tpu.memory_space<hbm>>) dst(%arg6 : memref<32x512xf32, #tpu.memory_space<vmem>>)
      %ge3A = arith.constant 2 : i32
      %ge3A_42 = arith.cmpi sge, %add3A_34, %ge3A : i32
      %convert_element_type3A = arith.extui %ge3A_42 : i1 to i32
      %cond3A = arith.constant 0 : i32
      %cond3A_43 = arith.cmpi ne, %convert_element_type3A, %cond3A : i32
      scf.if %cond3A_43 {
        %sub3A = arith.constant 2 : i32
        %sub3A_92 = arith.subi %add3A_34, %sub3A : i32
        %mul3A_93 = arith.constant 32 : i32
        %mul3A_94 = arith.muli %sub3A_92, %mul3A_93 : i32
        %add3A_95 = arith.addi %mul3A_2, %mul3A_94 : i32
        %dma_wait3A_96 = arith.constant 0 : i32
        %dma_wait3A_97 = tpu.memref_slice %arg4[%add3A_95, %dma_wait3A_96] : memref<32768x512xi32, #tpu.memory_space<hbm>> -> memref<32x512xi32, #tpu.memory_space<hbm>>
        %dma_wait3A_98 = arith.constant 0 : i32
        %dma_wait3A_99 = tpu.memref_slice %arg4[%add3A_95, %dma_wait3A_98] : memref<32768x512xi32, #tpu.memory_space<hbm>> -> memref<32x512xi32, #tpu.memory_space<hbm>>
        tpu.wait_dma2 semaphore(%arg12 : memref<!tpu.dma_semaphore, #tpu.memory_space<semaphore_mem>>) src(%arg8 : memref<32x512xi32, #tpu.memory_space<vmem>>) dst(%dma_wait3A_99 : memref<32x512xi32, #tpu.memory_space<hbm>>)
      } else {
      }
      %parallel_loop3A = arith.constant 0 : i32
      %parallel_loop3A_44 = arith.constant 1024 : i32
      %parallel_loop3A_45 = arith.constant 1 : i32
      scf.for %parallel_loop3A_92 = %parallel_loop3A to %parallel_loop3A_44 step %parallel_loop3A_45  : i32 {
        %parallel_loop3A_93 = arith.constant 5 : i32
        %parallel_loop3A_94 = arith.shrui %parallel_loop3A_92, %parallel_loop3A_93 : i32
        %parallel_loop3A_95 = arith.constant 31 : i32
        %parallel_loop3A_96 = arith.andi %parallel_loop3A_92, %parallel_loop3A_95 : i32
        %parallel_loop3A_97 = arith.constant 4 : i32
        %parallel_loop3A_98 = arith.shli %parallel_loop3A_96, %parallel_loop3A_97 : i32
        %parallel_loop3A_99 = arith.index_cast %parallel_loop3A_94 : i32 to index
        %parallel_loop3A_100 = arith.index_cast %parallel_loop3A_98 : i32 to index
        %parallel_loop3A_101 = tpu.vector_load %arg6[%parallel_loop3A_99, %parallel_loop3A_100] {strides = array<i32>} : memref<32x512xf32, #tpu.memory_space<vmem>>, vector<16xf32>,
        %parallel_loop3A_102 = arith.constant 40.5845108 : f32
        %parallel_loop3A_103 = vector.broadcast %parallel_loop3A_102 : f32 to vector<16xf32>
        %parallel_loop3A_104 = arith.mulf %parallel_loop3A_101, %parallel_loop3A_103 : vector<16xf32>
        %parallel_loop3A_105 = arith.constant 5.000000e-01 : f32
        %parallel_loop3A_106 = vector.broadcast %parallel_loop3A_105 : f32 to vector<16xf32>
        %parallel_loop3A_107 = arith.addf %parallel_loop3A_104, %parallel_loop3A_106 : vector<16xf32>
        %parallel_loop3A_108 = arith.constant 0.000000e+00 : f32
        %parallel_loop3A_109 = vector.broadcast %parallel_loop3A_108 : f32 to vector<16xf32>
        %parallel_loop3A_110 = arith.maximumf %parallel_loop3A_107, %parallel_loop3A_109 : vector<16xf32>
        %parallel_loop3A_111 = arith.constant 2.550000e+02 : f32
        %parallel_loop3A_112 = vector.broadcast %parallel_loop3A_111 : f32 to vector<16xf32>
        %parallel_loop3A_113 = arith.minimumf %parallel_loop3A_110, %parallel_loop3A_112 : vector<16xf32>
        %parallel_loop3A_114 = arith.fptosi %parallel_loop3A_113 : vector<16xf32> to vector<16xi32>
        %parallel_loop3A_115 = tpu.vector_load_idx %arg5[%parallel_loop3A_114] : memref<256xf32, #tpu.memory_space<vmem>>[vector<16xi32>], vector<16xf32>,
        %parallel_loop3A_116 = arith.cmpf olt, %parallel_loop3A_115, %parallel_loop3A_101 : vector<16xf32>
        %parallel_loop3A_117 = arith.constant 1 : i32
        %parallel_loop3A_118 = vector.broadcast %parallel_loop3A_117 : i32 to vector<16xi32>
        %parallel_loop3A_119 = arith.addi %parallel_loop3A_114, %parallel_loop3A_118 : vector<16xi32>
        %parallel_loop3A_120 = arith.select %parallel_loop3A_116, %parallel_loop3A_119, %parallel_loop3A_114 : vector<16xi1>, vector<16xi32>
        %parallel_loop3A_121 = arith.index_cast %parallel_loop3A_94 : i32 to index
        %parallel_loop3A_122 = arith.index_cast %parallel_loop3A_98 : i32 to index
        %parallel_loop3A_123 = tpu.vector_load %arg8[%parallel_loop3A_121, %parallel_loop3A_122] {strides = array<i32>} : memref<32x512xi32, #tpu.memory_space<vmem>>, vector<16xi32>,
        tpu.vector_store %arg8[%parallel_loop3A_121, %parallel_loop3A_122], %parallel_loop3A_120 {strides = array<i32>} : memref<32x512xi32, #tpu.memory_space<vmem>>, vector<16xi32>,
      } {sc.loop_unroll_factor = 8 : i64, sc.parallel_access}
      %mul3A_46 = arith.constant 32 : i32
      %mul3A_47 = arith.muli %add3A_34, %mul3A_46 : i32
      %add3A_48 = arith.addi %mul3A_2, %mul3A_47 : i32
      %dma_start3A_49 = arith.constant 0 : i32
      %dma_start3A_50 = tpu.memref_slice %arg4[%add3A_48, %dma_start3A_49] : memref<32768x512xi32, #tpu.memory_space<hbm>> -> memref<32x512xi32, #tpu.memory_space<hbm>>
      %dma_start3A_51 = arith.constant 0 : i32
      %dma_start3A_52 = tpu.memref_slice %arg4[%add3A_48, %dma_start3A_51] : memref<32768x512xi32, #tpu.memory_space<hbm>> -> memref<32x512xi32, #tpu.memory_space<hbm>>
      tpu.enqueue_dma source(%arg8 : memref<32x512xi32, #tpu.memory_space<vmem>>) target(%dma_start3A_52 : memref<32x512xi32, #tpu.memory_space<hbm>>) target_semaphore(%arg12 : memref<!tpu.dma_semaphore, #tpu.memory_space<semaphore_mem>>)
      %add3A_53 = arith.constant 2 : i32
      %add3A_54 = arith.addi %add3A_34, %add3A_53 : i32
      %lt3A = arith.constant 32 : i32
      %lt3A_55 = arith.cmpi slt, %add3A_54, %lt3A : i32
      %convert_element_type3A_56 = arith.extui %lt3A_55 : i1 to i32
      %cond3A_57 = arith.constant 0 : i32
      %cond3A_58 = arith.cmpi ne, %convert_element_type3A_56, %cond3A_57 : i32
      scf.if %cond3A_58 {
        %add3A_92 = arith.constant 2 : i32
        %add3A_93 = arith.addi %add3A_34, %add3A_92 : i32
        %mul3A_94 = arith.constant 32 : i32
        %mul3A_95 = arith.muli %add3A_93, %mul3A_94 : i32
        %add3A_96 = arith.addi %mul3A_2, %mul3A_95 : i32
        %dma_start3A_97 = arith.constant 0 : i32
        %dma_start3A_98 = tpu.memref_slice %arg2[%add3A_96, %dma_start3A_97] : memref<32768x512xf32, #tpu.memory_space<hbm>> -> memref<32x512xf32, #tpu.memory_space<hbm>>
        %dma_start3A_99 = arith.constant 0 : i32
        %dma_start3A_100 = tpu.memref_slice %arg2[%add3A_96, %dma_start3A_99] : memref<32768x512xf32, #tpu.memory_space<hbm>> -> memref<32x512xf32, #tpu.memory_space<hbm>>
        tpu.enqueue_dma source(%dma_start3A_100 : memref<32x512xf32, #tpu.memory_space<hbm>>) target(%arg6 : memref<32x512xf32, #tpu.memory_space<vmem>>) target_semaphore(%arg10 : memref<!tpu.dma_semaphore, #tpu.memory_space<semaphore_mem>>)
      } else {
      }
      %mul3A_59 = arith.constant 2 : i32
      %mul3A_60 = arith.muli %scan3A_30, %mul3A_59 : i32
      %add3A_61 = arith.constant 1 : i32
      %add3A_62 = arith.addi %mul3A_60, %add3A_61 : i32
      %mul3A_63 = arith.constant 32 : i32
      %mul3A_64 = arith.muli %add3A_62, %mul3A_63 : i32
      %add3A_65 = arith.addi %mul3A_2, %mul3A_64 : i32
      %dma_wait3A_66 = arith.constant 0 : i32
      %dma_wait3A_67 = tpu.memref_slice %arg2[%add3A_65, %dma_wait3A_66] : memref<32768x512xf32, #tpu.memory_space<hbm>> -> memref<32x512xf32, #tpu.memory_space<hbm>>
      %dma_wait3A_68 = arith.constant 0 : i32
      %dma_wait3A_69 = tpu.memref_slice %arg2[%add3A_65, %dma_wait3A_68] : memref<32768x512xf32, #tpu.memory_space<hbm>> -> memref<32x512xf32, #tpu.memory_space<hbm>>
      tpu.wait_dma2 semaphore(%arg11 : memref<!tpu.dma_semaphore, #tpu.memory_space<semaphore_mem>>) src(%dma_wait3A_69 : memref<32x512xf32, #tpu.memory_space<hbm>>) dst(%arg7 : memref<32x512xf32, #tpu.memory_space<vmem>>)
      %ge3A_70 = arith.constant 2 : i32
      %ge3A_71 = arith.cmpi sge, %add3A_62, %ge3A_70 : i32
      %convert_element_type3A_72 = arith.extui %ge3A_71 : i1 to i32
      %cond3A_73 = arith.constant 0 : i32
      %cond3A_74 = arith.cmpi ne, %convert_element_type3A_72, %cond3A_73 : i32
      scf.if %cond3A_74 {
        %sub3A = arith.constant 2 : i32
        %sub3A_92 = arith.subi %add3A_62, %sub3A : i32
        %mul3A_93 = arith.constant 32 : i32
        %mul3A_94 = arith.muli %sub3A_92, %mul3A_93 : i32
        %add3A_95 = arith.addi %mul3A_2, %mul3A_94 : i32
        %dma_wait3A_96 = arith.constant 0 : i32
        %dma_wait3A_97 = tpu.memref_slice %arg4[%add3A_95, %dma_wait3A_96] : memref<32768x512xi32, #tpu.memory_space<hbm>> -> memref<32x512xi32, #tpu.memory_space<hbm>>
        %dma_wait3A_98 = arith.constant 0 : i32
        %dma_wait3A_99 = tpu.memref_slice %arg4[%add3A_95, %dma_wait3A_98] : memref<32768x512xi32, #tpu.memory_space<hbm>> -> memref<32x512xi32, #tpu.memory_space<hbm>>
        tpu.wait_dma2 semaphore(%arg13 : memref<!tpu.dma_semaphore, #tpu.memory_space<semaphore_mem>>) src(%arg9 : memref<32x512xi32, #tpu.memory_space<vmem>>) dst(%dma_wait3A_99 : memref<32x512xi32, #tpu.memory_space<hbm>>)
      } else {
      }
      %parallel_loop3A_75 = arith.constant 0 : i32
      %parallel_loop3A_76 = arith.constant 1024 : i32
      %parallel_loop3A_77 = arith.constant 1 : i32
      scf.for %parallel_loop3A_92 = %parallel_loop3A_75 to %parallel_loop3A_76 step %parallel_loop3A_77  : i32 {
        %parallel_loop3A_93 = arith.constant 5 : i32
        %parallel_loop3A_94 = arith.shrui %parallel_loop3A_92, %parallel_loop3A_93 : i32
        %parallel_loop3A_95 = arith.constant 31 : i32
        %parallel_loop3A_96 = arith.andi %parallel_loop3A_92, %parallel_loop3A_95 : i32
        %parallel_loop3A_97 = arith.constant 4 : i32
        %parallel_loop3A_98 = arith.shli %parallel_loop3A_96, %parallel_loop3A_97 : i32
        %parallel_loop3A_99 = arith.index_cast %parallel_loop3A_94 : i32 to index
        %parallel_loop3A_100 = arith.index_cast %parallel_loop3A_98 : i32 to index
        %parallel_loop3A_101 = tpu.vector_load %arg7[%parallel_loop3A_99, %parallel_loop3A_100] {strides = array<i32>} : memref<32x512xf32, #tpu.memory_space<vmem>>, vector<16xf32>,
        %parallel_loop3A_102 = arith.constant 40.5845108 : f32
        %parallel_loop3A_103 = vector.broadcast %parallel_loop3A_102 : f32 to vector<16xf32>
        %parallel_loop3A_104 = arith.mulf %parallel_loop3A_101, %parallel_loop3A_103 : vector<16xf32>
        %parallel_loop3A_105 = arith.constant 5.000000e-01 : f32
        %parallel_loop3A_106 = vector.broadcast %parallel_loop3A_105 : f32 to vector<16xf32>
        %parallel_loop3A_107 = arith.addf %parallel_loop3A_104, %parallel_loop3A_106 : vector<16xf32>
        %parallel_loop3A_108 = arith.constant 0.000000e+00 : f32
        %parallel_loop3A_109 = vector.broadcast %parallel_loop3A_108 : f32 to vector<16xf32>
        %parallel_loop3A_110 = arith.maximumf %parallel_loop3A_107, %parallel_loop3A_109 : vector<16xf32>
        %parallel_loop3A_111 = arith.constant 2.550000e+02 : f32
        %parallel_loop3A_112 = vector.broadcast %parallel_loop3A_111 : f32 to vector<16xf32>
        %parallel_loop3A_113 = arith.minimumf %parallel_loop3A_110, %parallel_loop3A_112 : vector<16xf32>
        %parallel_loop3A_114 = arith.fptosi %parallel_loop3A_113 : vector<16xf32> to vector<16xi32>
        %parallel_loop3A_115 = tpu.vector_load_idx %arg5[%parallel_loop3A_114] : memref<256xf32, #tpu.memory_space<vmem>>[vector<16xi32>], vector<16xf32>,
        %parallel_loop3A_116 = arith.cmpf olt, %parallel_loop3A_115, %parallel_loop3A_101 : vector<16xf32>
        %parallel_loop3A_117 = arith.constant 1 : i32
        %parallel_loop3A_118 = vector.broadcast %parallel_loop3A_117 : i32 to vector<16xi32>
        %parallel_loop3A_119 = arith.addi %parallel_loop3A_114, %parallel_loop3A_118 : vector<16xi32>
        %parallel_loop3A_120 = arith.select %parallel_loop3A_116, %parallel_loop3A_119, %parallel_loop3A_114 : vector<16xi1>, vector<16xi32>
        %parallel_loop3A_121 = arith.index_cast %parallel_loop3A_94 : i32 to index
        %parallel_loop3A_122 = arith.index_cast %parallel_loop3A_98 : i32 to index
        %parallel_loop3A_123 = tpu.vector_load %arg9[%parallel_loop3A_121, %parallel_loop3A_122] {strides = array<i32>} : memref<32x512xi32, #tpu.memory_space<vmem>>, vector<16xi32>,
        tpu.vector_store %arg9[%parallel_loop3A_121, %parallel_loop3A_122], %parallel_loop3A_120 {strides = array<i32>} : memref<32x512xi32, #tpu.memory_space<vmem>>, vector<16xi32>,
      } {sc.loop_unroll_factor = 8 : i64, sc.parallel_access}
      %mul3A_78 = arith.constant 32 : i32
      %mul3A_79 = arith.muli %add3A_62, %mul3A_78 : i32
      %add3A_80 = arith.addi %mul3A_2, %mul3A_79 : i32
      %dma_start3A_81 = arith.constant 0 : i32
      %dma_start3A_82 = tpu.memref_slice %arg4[%add3A_80, %dma_start3A_81] : memref<32768x512xi32, #tpu.memory_space<hbm>> -> memref<32x512xi32, #tpu.memory_space<hbm>>
      %dma_start3A_83 = arith.constant 0 : i32
      %dma_start3A_84 = tpu.memref_slice %arg4[%add3A_80, %dma_start3A_83] : memref<32768x512xi32, #tpu.memory_space<hbm>> -> memref<32x512xi32, #tpu.memory_space<hbm>>
      tpu.enqueue_dma source(%arg9 : memref<32x512xi32, #tpu.memory_space<vmem>>) target(%dma_start3A_84 : memref<32x512xi32, #tpu.memory_space<hbm>>) target_semaphore(%arg13 : memref<!tpu.dma_semaphore, #tpu.memory_space<semaphore_mem>>)
      %add3A_85 = arith.constant 2 : i32
      %add3A_86 = arith.addi %add3A_62, %add3A_85 : i32
      %lt3A_87 = arith.constant 32 : i32
      %lt3A_88 = arith.cmpi slt, %add3A_86, %lt3A_87 : i32
      %convert_element_type3A_89 = arith.extui %lt3A_88 : i1 to i32
      %cond3A_90 = arith.constant 0 : i32
      %cond3A_91 = arith.cmpi ne, %convert_element_type3A_89, %cond3A_90 : i32
      scf.if %cond3A_91 {
        %add3A_92 = arith.constant 2 : i32
        %add3A_93 = arith.addi %add3A_62, %add3A_92 : i32
        %mul3A_94 = arith.constant 32 : i32
        %mul3A_95 = arith.muli %add3A_93, %mul3A_94 : i32
        %add3A_96 = arith.addi %mul3A_2, %mul3A_95 : i32
        %dma_start3A_97 = arith.constant 0 : i32
        %dma_start3A_98 = tpu.memref_slice %arg2[%add3A_96, %dma_start3A_97] : memref<32768x512xf32, #tpu.memory_space<hbm>> -> memref<32x512xf32, #tpu.memory_space<hbm>>
        %dma_start3A_99 = arith.constant 0 : i32
        %dma_start3A_100 = tpu.memref_slice %arg2[%add3A_96, %dma_start3A_99] : memref<32768x512xf32, #tpu.memory_space<hbm>> -> memref<32x512xf32, #tpu.memory_space<hbm>>
        tpu.enqueue_dma source(%dma_start3A_100 : memref<32x512xf32, #tpu.memory_space<hbm>>) target(%arg7 : memref<32x512xf32, #tpu.memory_space<vmem>>) target_semaphore(%arg11 : memref<!tpu.dma_semaphore, #tpu.memory_space<semaphore_mem>>)
      } else {
      }
    }
    %scan3A_18 = arith.constant 16 : i32
    %add3A_19 = arith.constant 960 : i32
    %add3A_20 = arith.addi %mul3A_2, %add3A_19 : i32
    %dma_wait3A = arith.constant 0 : i32
    %dma_wait3A_21 = tpu.memref_slice %arg4[%add3A_20, %dma_wait3A] : memref<32768x512xi32, #tpu.memory_space<hbm>> -> memref<32x512xi32, #tpu.memory_space<hbm>>
    %dma_wait3A_22 = arith.constant 0 : i32
    %dma_wait3A_23 = tpu.memref_slice %arg4[%add3A_20, %dma_wait3A_22] : memref<32768x512xi32, #tpu.memory_space<hbm>> -> memref<32x512xi32, #tpu.memory_space<hbm>>
    tpu.wait_dma2 semaphore(%arg12 : memref<!tpu.dma_semaphore, #tpu.memory_space<semaphore_mem>>) src(%arg8 : memref<32x512xi32, #tpu.memory_space<vmem>>) dst(%dma_wait3A_23 : memref<32x512xi32, #tpu.memory_space<hbm>>)
    %add3A_24 = arith.constant 992 : i32
    %add3A_25 = arith.addi %mul3A_2, %add3A_24 : i32
    %dma_wait3A_26 = arith.constant 0 : i32
    %dma_wait3A_27 = tpu.memref_slice %arg4[%add3A_25, %dma_wait3A_26] : memref<32768x512xi32, #tpu.memory_space<hbm>> -> memref<32x512xi32, #tpu.memory_space<hbm>>
    %dma_wait3A_28 = arith.constant 0 : i32
    %dma_wait3A_29 = tpu.memref_slice %arg4[%add3A_25, %dma_wait3A_28] : memref<32768x512xi32, #tpu.memory_space<hbm>> -> memref<32x512xi32, #tpu.memory_space<hbm>>
    tpu.wait_dma2 semaphore(%arg13 : memref<!tpu.dma_semaphore, #tpu.memory_space<semaphore_mem>>) src(%arg9 : memref<32x512xi32, #tpu.memory_space<vmem>>) dst(%dma_wait3A_29 : memref<32x512xi32, #tpu.memory_space<hbm>>)
    return
  }
}

</mosaic_0001>

<sc_bundles>
// kernel: kernel.3.cloned.1.call-start
scs
__scs_entry_jumppad:
0x0: {  	(pc) =	sbr.rel $0x88, $3  }
0x1: {  	(tag) =	ssettag $0x0;
	lr =	simm.s32 $0x1  }
0x2: {  	[smem:$0x3F9F] =	sst lr;
	_ =	strace $0xD0000000  }
0x3: {  	_ = 	snop  }
0x4: {  	_ = 	snop  }
0x5: {  	_ = 	snop  }
0x6: {  	_ = 	snop  }
0x7: {  	_ = 	snop  }
__scs_overlays_trampoline_lowered:
0x8: {  	[smem:$0x3FAE] =	sst s0  }
0x9: {  	[smem:$0x3FAF] =	sst s1  }
0xa: {  	[smem:$0x3FB0] =	sst s2  }
0xb: {  	[smem:$0x3FB1] =	sst s3  }
0xc: {  	[smem:$0x3FB2] =	sst s4  }
0xd: {  	[smem:$0x3FB3] =	sst s5  }
0xe: {  	[smem:$0x3FB4] =	sst s6  }
0xf: {  	[smem:$0x3FB5] =	sst s7  }
0x10: {  	[smem:$0x3FB6] =	sst s8  }
0x11: {  	[smem:$0x3FB7] =	sst s9;
	s0 =	simm.s32 @!p0 $0x0  }
0x12: {  	s1 =	sld [smem:$0x3F9D];
	s0 =	simm.s32 @p0 $0x1  }
0x13: {  	[smem:$0x3FB8] =	sst s0;
	s0 =	simm.s32 @!p1 $0x0  }
0x14: {  	s2 =	sld [smem:$0x3F9C];
	s0 =	simm.s32 @p1 $0x1  }
0x15: {  	[smem:$0x3FB9] =	sst s0;
	s0 =	simm.s32 @!p2 $0x0  }
0x16: {  	s3 =	sld [smem:$0x3FDB];
	s0 =	simm.s32 @p2 $0x1  }
0x17: {  	s4 =	simm.s32 $0x1BF5;
	[smem:$0x3FBB] =	sst s0  }
0x18: {  	s0 =	sld [smem:$0x3F9E];
	_ =	swait.ge [sflag:s4], $0x0  }
0x19: {  	s7 =	sld [smem:$0x3F9F]  }
0x1a: {  	s8 =	sadd.s32 $0xFFFFE003, lr  }
0x1b: {  	s9 =	sadd.s32 $0xFFFFFEF7, lr;
	s5 =	simm.s32 $0xFFFFFFFF;
	p2 =	slt.u32 s8, $0xFFFFF086  }
0x1c: {  	p1 =	slt.u32 s9, $0xF7A;
	s5 =	simm.s32 @!p2 $0x0  }
0x1d: {  	s5 =	simm.s32 @p1 $0x1;
	p0 =	seq.s32 s7, s2  }
0x1e: {  	s7 =	smul.u32 @!p0 $0xF7A, s2;
	p2 =	seq.s32 @!p0 s5, $0x0  }
0x1f: {  	s9 =	smul.u32 $0xF7A, s1;
	s8 =	simm.s32 @!p0 $0x1BF5;
	p2 =	por !p2, p0  }
0x20: {  	[sflag:s8] =	ssyncset.s32 @!p0 $0xFFFFF086;
	s6 =	sadd.s32 @!p0 s3, s7;
	s7 =	simm.s32 @!p0 $0x108  }
0x21: {  	s3 =	sadd.s32 s3, s9;
	s6 =	sadd.s32 @!p0 $0x88, s6;
	s7 =	simm.s32 @p2 $0x1082  }
0x22: {  	[simem:s7], [sflag:s8] =	dma.local @!p0 [hbm:s6], $0xF7A  }
0x23: {  	s9 =	sor.u32 $0xD0000000, s2;
	s6 =	simm.s32 $0x108;
	_ =	swait.ge @!p0 [sflag:s8], $0x0  }
0x24: {  	s3 =	sadd.s32 $0x88, s3;
	s6 =	simm.s32 @!p1 $0x1082;
	[sflag:s4] =	ssyncset.s32 $0xFFFFF086  }
0x25: {  	[simem:s6], [sflag:s4] =	dma.local [hbm:s3], $0xF7A  }
0x26: {  	[smem:$0x3F9F] =	sst s1;
	(tag) =	ssettag s2;
	_ =	strace s9  }
0x27: {  	s1 =	sld [smem:$0x3FAF]  }
0x28: {  	s2 =	sld [smem:$0x3FB0]  }
0x29: {  	s4 =	sld [smem:$0x3FB2]  }
0x2a: {  	p0 =	seq.s32 s5, $0x0;
	s5 =	sld [smem:$0x3FB3]  }
0x2b: {  	s6 =	sld [smem:$0x3FB4]  }
0x2c: {  	s7 =	sld [smem:$0x3FB5]  }
0x2d: {  	s3 =	simm.s32 $0x108;
	s8 =	sld [smem:$0x3FB6]  }
0x2e: {  	s3 =	simm.s32 @!p0 $0x1082;
	s9 =	sld [smem:$0x3FB7]  }
0x2f: {  	lr =	sadd.s32 s0, s3;
	s0 =	sld [smem:$0x3FAE]  }
0x30: {  	s3 =	sld [smem:$0x3FB1]  }
0x31: {  	[smem:$0x3FBA] =	sst s10  }
0x32: {  	s10 =	sld [smem:$0x3FB8];
	_ =	sdelay $0x3  }
0x33: {  	p0 =	seq.s32 s10, $0x1;
	s10 =	sld [smem:$0x3FBA];
	_ =	sdelay $0x3  }
0x34: {  	[smem:$0x3FBA] =	sst s10  }
0x35: {  	s10 =	sld [smem:$0x3FB9];
	_ =	sdelay $0x3  }
0x36: {  	p1 =	seq.s32 s10, $0x1;
	s10 =	sld [smem:$0x3FBA];
	_ =	sdelay $0x3  }
0x37: {  	[smem:$0x3FBA] =	sst s10  }
0x38: {  	s10 =	sld [smem:$0x3FBB]  }
0x39: {  	_ = 	snop;
	(pc) =	sbr.ind lr, $3  }
0x3a: {  	_ = 	snop  }
0x3b: {  	_ = 	snop  }
0x3c: {  	p2 =	seq.s32 s10, $0x1;
	s10 =	sld [smem:$0x3FBA]  }
0x3d: {  	_ =	shalt  }
0x3e: {  	_ =	shalt  }
0x3f: {  	_ =	shalt  }
0x40: {  	_ =	shalt  }
0x41: {  	_ =	shalt  }
0x42: {  	_ =	shalt  }
0x43: {  	_ =	shalt  }
0x44: {  	_ =	shalt  }
0x45: {  	_ =	shalt  }
0x46: {  	_ =	shalt  }
0x47: {  	_ =	shalt  }
0x48: {  	_ =	shalt  }
0x49: {  	_ =	shalt  }
0x4a: {  	_ =	shalt  }
0x4b: {  	_ =	shalt  }
0x4c: {  	_ =	shalt  }
0x4d: {  	_ =	shalt  }
0x4e: {  	_ =	shalt  }
0x4f: {  	_ =	shalt  }
0x50: {  	_ =	shalt  }
0x51: {  	_ =	shalt  }
0x52: {  	_ =	shalt  }
0x53: {  	_ =	shalt  }
0x54: {  	_ =	shalt  }
0x55: {  	_ =	shalt  }
0x56: {  	_ =	shalt  }
0x57: {  	_ =	shalt  }
0x58: {  	_ =	shalt  }
0x59: {  	_ =	shalt  }
0x5a: {  	_ =	shalt  }
0x5b: {  	_ =	shalt  }
0x5c: {  	_ =	shalt  }
0x5d: {  	_ =	shalt  }
0x5e: {  	_ =	shalt  }
0x5f: {  	_ =	shalt  }
0x60: {  	_ =	shalt  }
0x61: {  	_ =	shalt  }
0x62: {  	_ =	shalt  }
0x63: {  	_ =	shalt  }
0x64: {  	_ =	shalt  }
0x65: {  	_ =	shalt  }
0x66: {  	_ =	shalt  }
0x67: {  	_ =	shalt  }
0x68: {  	_ =	shalt  }
0x69: {  	_ =	shalt  }
0x6a: {  	_ =	shalt  }
0x6b: {  	_ =	shalt  }
0x6c: {  	_ =	shalt  }
0x6d: {  	_ =	shalt  }
0x6e: {  	_ =	shalt  }
0x6f: {  	_ =	shalt  }
0x70: {  	_ =	shalt  }
0x71: {  	_ =	shalt  }
0x72: {  	_ =	shalt  }
0x73: {  	_ =	shalt  }
0x74: {  	_ =	shalt  }
0x75: {  	_ =	shalt  }
0x76: {  	_ =	shalt  }
0x77: {  	_ =	shalt  }
0x78: {  	_ =	shalt  }
0x79: {  	_ =	shalt  }
0x7a: {  	_ =	shalt  }
0x7b: {  	_ =	shalt  }
0x7c: {  	_ =	shalt  }
0x7d: {  	_ =	shalt  }
0x7e: {  	_ =	shalt  }
0x7f: {  	_ =	shalt  }
0x80: {  	_ =	shalt  }
0x81: {  	_ =	shalt  }
0x82: {  	_ =	shalt  }
0x83: {  	_ =	shalt  }
0x84: {  	_ =	shalt  }
0x85: {  	_ =	shalt  }
0x86: {  	_ =	shalt  }
0x87: {  	_ =	shalt  }
.Lfunc_end0:
.L_simem_size_0:
called_computation_lowered:
.L_overlay_start_0:
0x88: {  	s2 =	sld [smem:$0x3FD9]  }
0x89: {  	s3 =	sld [smem:$0x3FFE];
	_ =	sdelay $0x1  }
0x8a: {  	s1 =	srdreg.scid  }
0x8b: {  	s0 =	sand.u32 $0x1, s1  }
0x8c: {  	s18 =	sshll.u32 s0, $0xA;
	s2 =	sadd.s32 s3, s2  }
0x8d: {  	s2 =	sadd.s32 s2, s18  }
0x8e: {  	[smem:$0x3FC6] =	sst s2  }
0x8f: {  	_ = 	snop  }
0x90: {  	s2 =	sld [smem:$0x3FC9]  }
0x91: {  	s19 =	sld [smem:$0x3FC8]  }
0x92: {  	s4 =	sld [smem:$0x3FD0];
	(tm) =	ssettm $0x1  }
0x93: {  	s5 =	sld [smem:$0x3FFB];
	_ =	sdelay $0x3  }
0x94: {  	_ =	strace s5  }
0x95: {  	s5 =	sld [smem:$0x3FFC];
	_ =	sdelay $0x3  }
0x96: {  	_ =	strace s5  }
0x97: {  	s5 =	sld [smem:$0x3FFD];
	_ =	sdelay $0x3  }
0x98: {  	_ =	strace s5  }
0x99: {  	_ =	strace $0x8FFFFFFF  }
0x9a: {  	s20 =	sld [smem:$0x3FDB];
	_ =	sdelay $0x1  }
0x9b: {  	s6 =	simm.s32 $_scs_section_size  }
0x9c: {  	s7 =	simm.s32 $_size__tile_overlayer_lowered;
	s8 =	simm.s32 $_tile_overlayer_lowered  }
0x9d: {  	s23 =	simm.s32 $0x1BFF;
	s22 =	sshll.u32 s8, $0x1;
	s5 =	sadd.s32 s6, s20  }
0x9e: {  	s9 =	simm.s32 $0x0;
	s21 =	sshll.u32 s7, $0x1;
	s7 =	sadd.s32 s22, s5  }
0x9f: {  	[timem:s9], [sflag:s23] =	dma.local [hbm:s7], s21  }
0xa0: {  	_ =	swait.ge [sflag:s23], s21  }
0xa1: {  	s6 =	ssub.s32 $0x0, s21;
	[sflag:s23] =	ssyncset.done $0x0  }
0xa2: {  	[sflag:s23] =	ssyncadd.s32 s6;
	_ =	sdelay $0x1  }
0xa3: {  	s24 =	simm.s32 $0x1B8B  }
0xa4: {  	_ =	swait.ge [sflag:s24], $0x1  }
0xa5: {  	[sflag:s24] =	ssyncset.done $0x0  }
0xa6: {  	s25 =	simm.s32 $0x1B8E;
	[sflag:s24] =	ssyncadd.s32 $0xFFFFFFFF  }
0xa7: {  	s26 =	simm.s32 $execute0_lowered;
	[smem:$0x3FD2] =	sst s25  }
0xa8: {  	s6 =	sshll.u32 s26, $0x1;
	_ =	strace $0x80000046;
	[dreg:$0x1] =	wrdreg $0xFFFFFFFF  }
0xa9: {  	s28 =	simm.s32 $_size_execute0_lowered;
	s5 =	sadd.s32 s5, s6;
	[dreg:$0x0] =	wrdreg $0x0  }
0xaa: {  	s6 =	sshll.u32 s28, $0x1;
	[dreg:$0x2] =	wrdreg s5  }
0xab: {  	[dreg:$0x3] =	wrdreg s6  }
0xac: {  	[dreg:$0x4] =	wrdreg $0xC0  }
0xad: {  	_ =	task [dreg:s9], $0x5FFFF  }
0xae: {  	[dreg:$0x1] =	wrdreg $0xFFFFFFFF  }
0xaf: {  	[dreg:$0x0] =	wrdreg $0x60  }
0xb0: {  	[dreg:$0x2] =	wrdreg s2  }
0xb1: {  	[dreg:$0x3] =	wrdreg s19  }
0xb2: {  	[dreg:$0x4] =	wrdreg s4  }
0xb3: {  	[dreg:$0x5] =	wrdreg $0x9  }
0xb4: {  	_ =	task.clear_ibuf [dreg:s9], $0x6FFFF;
	_ =	strace $0x90000046  }
0xb5: {  	s29 =	simm.s32 $0x9;
	_ =	strace $0x80000048  }
0xb6: {  	_ =	swait.ge [sflag:s29], $0x1  }
0xb7: {  	[sflag:s29] =	ssyncadd.s32 $0xFFFFFFFF  }
0xb8: {  	_ =	strace $0x90000048  }
0xb9: {  	_ =	sfence  }
0xba: {  	s30 =	sld [smem:$0x0];
	_ =	sdelay $0x2  }
0xbb: {  	s31 =	sshll.u32 s1, $0xD;
	s1 =	sshrl.u32 s1, $0x2  }
0xbc: {  	s3 =	sand.u32 $0x4000, s31;
	s1 =	sadd.s32 s1, s30  }
0xbd: {  	s0 =	sor.u32 s3, s0;
	s1 =	sshll.u32 s1, $0x11  }
0xbe: {  	s0 =	sor.u32 s1, s0  }
0xbf: {  	s0 =	sadd.s32 $0x8F2B, s0  }
0xc0: {  	[sflag:s0] =	ssyncadd.remote.s32 $0x1  }
0xc1: {  	_ =	sfence.sel $0xFFFF  }
0xc2: {  	[dreg:$0x0] =	wrdreg $0xFFFFFFFF;
	(pc) =	sbr.abs _section_cstart, $3  }
0xc3: {  	[dreg:$0x1] =	wrdreg $0xFFFFFFFF  }
0xc4: {  	_ =	task.clear_ibuf [dreg:s9], $0x2FFFF;
	_ =	strace $0x9FFFFFFF  }
0xc5: {  	(tm) =	ssettm $0x7FFFFFFF  }
tec
execute0_lowered:
.L_overlay_start_1:
0x0: {  	(tag) =	ssettag $0x1  }
0x1: {  	s4 =	rddreg [dreg:$0x0]  }
0x2: {  	s2 =	rddreg [dreg:$0x1]  }
0x3: {  	s0 =	srdreg.scid;
	s6 =	rddreg [dreg:$0x2]  }
0x4: {  	s1 =	stileid.u32;
	s3 =	simm.s32 $0x0;
	s11 =	simm.s32 $0x5  }
0x5: {  	s12 =	simm.s32 $0x100;
	s13 =	simm.s32 $0x4100;
	s14 =	simm.s32 $0x1  }
0x6: {  	s15 =	simm.s32 $0x8100;
	s16 =	simm.s32 $0x2;
	s17 =	simm.s32 $0x4  }
0x7: {  	s18 =	simm.s32 $0xC100;
	s19 =	simm.s32 $0x3;
	s20 =	simm.s32 $0x0  }
0x8: {  	s5 =	sand.u32 $0x1, s0;
	s0 =	rddreg [dreg:$0x3];
	s7 =	sshll.u32 s1, $0x11  }
.Ltmp0:
0x9: {  	s8 =	sshll.u32 s5, $0x10;
	s5 =	ssub.s32 $0x2, s5;
	(pc) =	sbr.rel .LBB2_1-.Ltmp0, $4  }
0xa: {  	[smem:$0x7FF] =	sst s3;
	s7 =	sor.u32 s8, s7;
	s31 =	sshrl.u32 s5, $0x1  }
0xb: {  	_ =	strace $0x80000047;
	s4 =	sadd.s32 s4, s7;
	s9 =	ssub.s32 s5, s31  }
0xc: {  	s6 =	sadd.s32 s6, s7;
	s5 =	sadd.s32 $0x800, s4;
	s7 =	sadd.s32 $0x1000, s4  }
0xd: {  	v0 =	vimm.s32 $0x0;
	s8 =	sadd.s32 $0x1800, s4;
	s9 =	smax.u32 s9, $0x1;
	s10 =	sadd.s32 $0x800, s6  }
.LBB2_12:
0xe: {  	s20 =	sadd.s32 $0x1, s20  }
0xf: {  	_ =	swait.ge [sflag:s19], $0x4000;
	p0 =	sne.s32 s20, s9  }
.Ltmp1:
0x10: {  	[sflag:s19] =	ssyncset.done $0x0;
	(pc) =	sbr.rel @!p0 .LBB2_13-.Ltmp1, $4  }
0x11: {  	[sflag:s19] =	ssyncadd.s32 $0xFFFFC000  }
0x12: {  	_ =	swait.ge [sflag:s17], $0x4000  }
0x13: {  	[sflag:s17] =	ssyncset.done $0x0  }
0x14: {  	[sflag:s17] =	ssyncadd.s32 $0xFFFFC000  }
.LBB2_1:
0x15: {  	[tilespmem:s3], [sflag:$0x5] =	stream.linear.gather [hbm4b:s2+s3], $0x100, $0x38;
	[tilespmem:$0x10100] =	vst v63  }
0x16: {  	_ =	swait.ge [sflag:s11], $0x100  }
0x17: {  	[sflag:s11] =	ssyncset.done $0x0  }
0x18: {  	[sflag:s11] =	ssyncadd.s32 $0xFFFFFF00  }
0x19: {  	[tilespmem:s12], [sflag:$0x1] =	stream.linear.gather [hbm4b:s4+s3], $0x4000, $0x38;
	[tilespmem:$0x10100] =	vst v63  }
0x1a: {  	s21 =	simm.s32 $0x0  }
0x1b: {  	[tilespmem:s13], [sflag:$0x2] =	stream.linear.gather [hbm4b:s5+s3], $0x4000, $0x38;
	[tilespmem:$0x10100] =	vst v63  }
.LBB2_2:
0x1c: {  	_ =	swait.ge [sflag:s14], $0x4000  }
0x1d: {  	p0 =	seq.s32 s21, $0x0;
	[sflag:s14] =	ssyncset.done $0x0  }
0x1e: {  	s23 =	simm.s32 $0x0;
	s22 =	simm.s32 @!p0 $0x3;
	[sflag:s14] =	ssyncadd.s32 $0xFFFFC000  }
0x1f: {  	s24 =	sand.u32 $0x3000, s23;
	s25 =	sand.u32 $0xC00, s23;
	_ =	swait.ge @!p0 [sflag:s22], $0x4000  }
0x20: {  	s23 =	sand.u32 $0x380, s23;
	s24 =	sor.u32 s25, s24;
	[sflag:s22] =	ssyncset.done @!p0 $0x0  }
0x21: {  	s23 =	sor.u32 s23, s24;
	[sflag:s22] =	ssyncadd.s32 @!p0 $0xFFFFC000  }
0x22: {  	v11 =	vld [tilespmem:s23+$0x170]  }
0x23: {  	v28 =	vld [tilespmem:s23+$0x100]  }
0x24: {  	v22 =	vld [tilespmem:s23+$0x110]  }
0x25: {  	v5 =	vld [tilespmem:s23+$0x120]  }
0x26: {  	v4 =	vld [tilespmem:s23+$0x130]  }
0x27: {  	v2 =	vld [tilespmem:s23+$0x150]  }
0x28: {  	v3 =	vld [tilespmem:s23+$0x140]  }
0x29: {  	v1 =	vmul.f32 $4.058451080e+01, v11  }
0x2a: {  	v6 =	vmul.f32 $4.058451080e+01, v28;
	v8 =	vmul.f32 $4.058451080e+01, v22  }
0x2b: {  	v9 =	vmul.f32 $4.058451080e+01, v5;
	v10 =	vmul.f32 $4.058451080e+01, v4  }
0x2c: {  	v13 =	vmul.f32 $4.058451080e+01, v2;
	v7 =	vadd.f32 $5.000000000e-01, v1;
	v6 =	vadd.f32 $5.000000000e-01, v6  }
0x2d: {  	v12 =	vmul.f32 $4.058451080e+01, v3;
	v8 =	vadd.f32 $5.000000000e-01, v8;
	v9 =	vadd.f32 $5.000000000e-01, v9  }
0x2e: {  	v1 =	vld [tilespmem:s23+$0x160];
	v10 =	vadd.f32 $5.000000000e-01, v10;
	v13 =	vadd.f32 $5.000000000e-01, v13;
	v7 =	vmax.f32 v7, $0.0e+00  }
0x2f: {  	s26 =	simm.s32 $0x80;
	s25 =	simm.s32 $0x400;
	v6 =	vmax.f32 v6, $0.0e+00;
	v8 =	vmax.f32 v8, $0.0e+00;
	v7 =	vmin.f32 v7, $2.550000000e+02  }
0x30: {  	s30 =	simm.s32 $0x20;
	s24 =	sand.u32 $0x3000, s26;
	s22 =	sand.u32 $0xC00, s25;
	v9 =	vmax.f32 v9, $0.0e+00;
	v10 =	vmax.f32 v10, $0.0e+00;
	v7 =	vtrunc.f32 v7  }
0x31: {  	s31 =	sand.u32 $0x380, s30;
	s22 =	sor.u32 s22, s24;
	v13 =	vmax.f32 v13, $0.0e+00;
	v6 =	vmin.f32 v6, $2.550000000e+02;
	v21 =	vcvt.f32.s32 v7  }
0x32: {  	s24 =	sor.u32 s31, s22;
	v8 =	vmin.f32 v8, $2.550000000e+02;
	v9 =	vmin.f32 v9, $2.550000000e+02;
	v10 =	vmin.f32 v10, $2.550000000e+02  }
0x33: {  	v20 =	vld [tilespmem:s24+$0x170];
	v6 =	vtrunc.f32 v6;
	v7 =	vadd.f32 $5.000000000e-01, v12;
	v12 =	vmul.f32 $4.058451080e+01, v1  }
0x34: {  	v13 =	vmin.f32 v13, $2.550000000e+02;
	v8 =	vtrunc.f32 v8;
	v9 =	vtrunc.f32 v9  }
0x35: {  	v19 =	vld [tilespmem:s24+$0x120];
	v10 =	vtrunc.f32 v10;
	v15 =	vcvt.f32.s32 v6;
	v12 =	vadd.f32 $5.000000000e-01, v12  }
0x36: {  	v17 =	vld [tilespmem:s24+$0x130];
	v23 =	vtrunc.f32 v13;
	v16 =	vcvt.f32.s32 v9;
	v7 =	vmax.f32 v7, $0.0e+00  }
0x37: {  	v9 =	vcvt.f32.s32 v23;
	v7 =	vmin.f32 v7, $2.550000000e+02;
	v12 =	vmax.f32 v12, $0.0e+00;
	v18 =	vld.idx.msk [tilespmem:v21+s3+$0x0], $0xffff  }
0x38: {  	v6 =	vld [tilespmem:s24+$0x110];
	v23 =	vmul.f32 $4.058451080e+01, v20;
	v14 =	vtrunc.f32 v7;
	v12 =	vmin.f32 v12, $2.550000000e+02  }
0x39: {  	v7 =	vld [tilespmem:s24+$0x100];
	v24 =	vtrunc.f32 v12;
	v12 =	vcvt.f32.s32 v8  }
0x3a: {  	v13 =	vcvt.f32.s32 v10;
	v23 =	vadd.f32 $5.000000000e-01, v23;
	v10 =	vcvt.f32.s32 v14;
	v14 =	vld [tilespmem:s24+$0x140]  }
0x3b: {  	v36 =	vld.idx.msk [tilespmem:v15+s3+$0x0], $0xffff  }
0x3c: {  	v23 =	vmax.f32 v23, $0.0e+00;
	vm0 =	vlt.f32 v18, v11;
	v11 =	vld [tilespmem:s24+$0x150]  }
0x3d: {  	v26 =	vmul.f32 $4.058451080e+01, v6;
	v23 =	vmin.f32 v23, $2.550000000e+02;
	v18 =	vld [tilespmem:s24+$0x160];
	v25 =	vsel vm0, $0x1, v0  }
0x3e: {  	v8 =	vcvt.f32.s32 v24;
	v24 =	vmul.f32 $4.058451080e+01, v7;
	v31 =	vadd.s32 v25, v21  }
0x3f: {  	v37 =	vld.idx.msk [tilespmem:v12+s3+$0x0], $0xffff;
	v21 =	vmul.f32 $4.058451080e+01, v19;
	v25 =	vadd.f32 $5.000000000e-01, v26;
	v26 =	vmul.f32 $4.058451080e+01, v17  }
0x40: {  	v23 =	vtrunc.f32 v23;
	v24 =	vadd.f32 $5.000000000e-01, v24;
	vm0 =	vlt.f32 v36, v28  }
0x41: {  	v27 =	vadd.f32 $5.000000000e-01, v21;
	v21 =	vmul.f32 $4.058451080e+01, v14;
	v26 =	vadd.f32 $5.000000000e-01, v26  }
0x42: {  	v25 =	vmax.f32 v25, $0.0e+00;
	v29 =	vmul.f32 $4.058451080e+01, v11;
	v32 =	vmul.f32 $4.058451080e+01, v18  }
0x43: {  	v25 =	vmin.f32 v25, $2.550000000e+02;
	v30 =	vadd.f32 $5.000000000e-01, v21;
	v21 =	vcvt.f32.s32 v23  }
0x44: {  	v23 =	vmax.f32 v24, $0.0e+00;
	v33 =	vmax.f32 v26, $0.0e+00;
	vm1 =	vlt.f32 v37, v22  }
0x45: {  	v24 =	vadd.f32 $5.000000000e-01, v29;
	v29 =	vmax.f32 v27, $0.0e+00;
	v26 =	vadd.f32 $5.000000000e-01, v32;
	v27 =	vld.idx.msk [tilespmem:v16+s3+$0x0], $0xffff  }
0x46: {  	v63 =	vmin.f32 v23, $2.550000000e+02;
	v35 =	vmin.f32 v29, $2.550000000e+02;
	v29 =	vtrunc.f32 v25;
	v25 =	vld.idx.msk [tilespmem:v8+s3+$0x0], $0xffff  }
0x47: {  	v38 =	vmin.f32 v33, $2.550000000e+02;
	v23 =	vmax.f32 v30, $0.0e+00;
	v30 =	vmax.f32 v24, $0.0e+00;
	v24 =	vld.idx.msk [tilespmem:v13+s3+$0x0], $0xffff  }
0x48: {  	v33 =	vtrunc.f32 v63;
	v34 =	vmax.f32 v26, $0.0e+00;
	v26 =	vld.idx.msk [tilespmem:v10+s3+$0x0], $0xffff;
	v39 =	vmin.f32 v23, $2.550000000e+02  }
0x49: {  	s28 =	simm.s32 $0x800;
	s29 =	simm.s32 $0x100;
	v35 =	vtrunc.f32 v35;
	v40 =	vmin.f32 v30, $2.550000000e+02;
	v30 =	vtrunc.f32 v38;
	v28 =	vld.idx.msk [tilespmem:v21+s3+$0x0], $0xffff  }
0x4a: {  	s26 =	simm.s32 $0x40;
	s25 =	simm.s32 $0x8;
	s22 =	sshll.u32 s21, $0xC;
	[tilespmem:s23+$0x8170] =	vst v31;
	v23 =	vld.idx.msk [tilespmem:v9+s3+$0x0], $0xffff;
	v34 =	vmin.f32 v34, $2.550000000e+02;
	v32 =	vtrunc.f32 v39;
	v31 =	vtrunc.f32 v40  }
.LBB2_3:
0x4b: {  	s30 =	sand.u32 $0x3000, s29;
	s31 =	sand.u32 $0xC00, s28;
	s25 =	sadd.s32 $0x8, s25;
	v22 =	vcvt.f32.s32 v33;
	v33 =	vtrunc.f32 v34;
	vm2 =	vlt.f32 v27, v5;
	v5 =	vmovc v19  }
0x4c: {  	v27 =	vcvt.f32.s32 v29;
	v29 =	vcvt.f32.s32 v35;
	vm3 =	vlt.f32 v24, v4;
	v4 =	vmovc v17;
	s30 =	sor.u32 s31, s30;
	s31 =	sand.u32 $0x380, s26;
	p1 =	slt.u32 s25, $0x3F8  }
0x4d: {  	v24 =	vcvt.f32.s32 v30;
	v30 =	vcvt.f32.s32 v32;
	vm4 =	vlt.f32 v26, v3;
	v3 =	vmovc v14;
	s30 =	sor.u32 s31, s30  }
0x4e: {  	v26 =	vcvt.f32.s32 v31;
	v31 =	vcvt.f32.s32 v33;
	vm5 =	vlt.f32 v28, v20;
	v20 =	vld [tilespmem:s30+$0x170]  }
0x4f: {  	vm6 =	vlt.f32 v25, v1;
	v1 =	vmovc v18;
	v14 =	vsel vm5, $0x1, v0;
	vm5 =	vlt.f32 v23, v2;
	v2 =	vmovc v11;
	v32 =	vld [tilespmem:s30+$0x100]  }
0x50: {  	v18 =	vsel vm1, $0x1, v0;
	v11 =	vadd.s32 v14, v21;
	v14 =	vsel vm0, $0x1, v0;
	v36 =	vld [tilespmem:s30+$0x110]  }
0x51: {  	v23 =	vsel vm4, $0x1, v0;
	v21 =	vsel vm3, $0x1, v0;
	v19 =	vld [tilespmem:s30+$0x120];
	[tilespmem:s24+$0x8170] =	vst v11;
	v11 =	vsel vm2, $0x1, v0  }
0x52: {  	v33 =	vsel vm6, $0x1, v0;
	v28 =	vsel vm5, $0x1, v0;
	v25 =	vadd.s32 v14, v15;
	v15 =	vmovc v22;
	v17 =	vld [tilespmem:s30+$0x130]  }
0x53: {  	v18 =	vadd.s32 v18, v12;
	v12 =	vmovc v27;
	v14 =	vld [tilespmem:s30+$0x140];
	v34 =	vmul.f32 $4.058451080e+01, v20;
	[tilespmem:s23+$0x8100] =	vst v25;
	v25 =	vadd.s32 v11, v16  }
0x54: {  	v23 =	vadd.s32 v23, v10;
	v21 =	vadd.s32 v21, v13;
	v16 =	vmovc v29;
	v35 =	vmul.f32 $4.058451080e+01, v32;
	v11 =	vld [tilespmem:s30+$0x150];
	[tilespmem:s23+$0x8110] =	vst v18  }
0x55: {  	v10 =	vmovc v30;
	v13 =	vmovc v24;
	v37 =	vmul.f32 $4.058451080e+01, v36;
	v18 =	vld [tilespmem:s30+$0x160];
	v34 =	vadd.f32 $5.000000000e-01, v34;
	[tilespmem:s23+$0x8120] =	vst v25;
	v25 =	vadd.s32 v28, v9  }
0x56: {  	v9 =	vmovc v26;
	v28 =	vadd.f32 $5.000000000e-01, v35;
	v30 =	vmul.f32 $4.058451080e+01, v19;
	v22 =	vld.idx.msk [tilespmem:v22+s3+$0x0], $0xffff;
	[tilespmem:s23+$0x8130] =	vst v21;
	v21 =	vadd.s32 v33, v8  }
0x57: {  	v8 =	vmovc v31;
	v33 =	vadd.f32 $5.000000000e-01, v37;
	v26 =	vmul.f32 $4.058451080e+01, v17;
	v34 =	vmax.f32 v34, $0.0e+00;
	v37 =	vld.idx.msk [tilespmem:v27+s3+$0x0], $0xffff;
	[tilespmem:s23+$0x8140] =	vst v23  }
0x58: {  	v30 =	vadd.f32 $5.000000000e-01, v30;
	v23 =	vmul.f32 $4.058451080e+01, v14;
	v31 =	vmin.f32 v34, $2.550000000e+02;
	v27 =	vld.idx.msk [tilespmem:v29+s3+$0x0], $0xffff;
	[tilespmem:s23+$0x8150] =	vst v25  }
0x59: {  	v25 =	vadd.f32 $5.000000000e-01, v26;
	v29 =	vmul.f32 $4.058451080e+01, v11;
	v26 =	vtrunc.f32 v31;
	v24 =	vld.idx.msk [tilespmem:v24+s3+$0x0], $0xffff;
	[tilespmem:s23+$0x8160] =	vst v21;
	s23 =	smov.u32 s24;
	s24 =	smov.u32 s30  }
0x5a: {  	v31 =	vadd.f32 $5.000000000e-01, v23;
	v34 =	vmul.f32 $4.058451080e+01, v18;
	v21 =	vcvt.f32.s32 v26;
	v26 =	vld.idx.msk [tilespmem:v10+s3+$0x0], $0xffff  }
0x5b: {  	v28 =	vmax.f32 v28, $0.0e+00;
	v33 =	vmax.f32 v33, $0.0e+00;
	v29 =	vadd.f32 $5.000000000e-01, v29;
	v23 =	vld.idx.msk [tilespmem:v9+s3+$0x0], $0xffff  }
0x5c: {  	v30 =	vmax.f32 v30, $0.0e+00;
	v35 =	vmax.f32 v25, $0.0e+00;
	v34 =	vadd.f32 $5.000000000e-01, v34;
	v25 =	vld.idx.msk [tilespmem:v8+s3+$0x0], $0xffff  }
0x5d: {  	v28 =	vmin.f32 v28, $2.550000000e+02;
	v31 =	vmax.f32 v31, $0.0e+00;
	v29 =	vmax.f32 v29, $0.0e+00  }
.Ltmp2:
0x5e: {  	v38 =	vmin.f32 v33, $2.550000000e+02;
	v30 =	vmin.f32 v30, $2.550000000e+02;
	v34 =	vmax.f32 v34, $0.0e+00;
	(pc) =	sbr.rel @p1 .LBB2_3-.Ltmp2, $4  }
0x5f: {  	v39 =	vmin.f32 v35, $2.550000000e+02;
	v31 =	vmin.f32 v31, $2.550000000e+02;
	v40 =	vmin.f32 v29, $2.550000000e+02  }
0x60: {  	v33 =	vtrunc.f32 v28;
	v29 =	vtrunc.f32 v38;
	v34 =	vmin.f32 v34, $2.550000000e+02;
	v28 =	vld.idx.msk [tilespmem:v21+s3+$0x0], $0xffff  }
0x61: {  	vm0 =	vlt.f32 v22, v7;
	v7 =	vmovc v32;
	v35 =	vtrunc.f32 v30;
	v30 =	vtrunc.f32 v39  }
0x62: {  	s28 =	sadd.s32 $0x400, s28;
	s29 =	sadd.s32 $0x80, s29;
	s26 =	sadd.s32 $0x20, s26;
	vm1 =	vlt.f32 v37, v6;
	v6 =	vmovc v36;
	v32 =	vtrunc.f32 v31;
	v31 =	vtrunc.f32 v40  }
0x63: {  	v22 =	vcvt.f32.s32 v33  }
0x64: {  	v29 =	vcvt.f32.s32 v29  }
0x65: {  	v47 =	vcvt.f32.s32 v35  }
0x66: {  	v34 =	vtrunc.f32 v34;
	v30 =	vcvt.f32.s32 v30;
	vm3 =	vlt.f32 v27, v5  }
0x67: {  	v48 =	vcvt.f32.s32 v32;
	v49 =	vcvt.f32.s32 v31;
	v50 =	vsel vm0, $0x1, v0  }
0x68: {  	v52 =	vsel vm1, $0x1, v0;
	vm5 =	vlt.f32 v24, v4;
	v15 =	vadd.s32 v50, v15  }
0x69: {  	v51 =	vcvt.f32.s32 v34;
	v54 =	vsel vm3, $0x1, v0;
	v12 =	vadd.s32 v52, v12;
	[tilespmem:s23+$0x8100] =	vst v15;
	v53 =	vld.idx.msk [tilespmem:v22+s3+$0x0], $0xffff  }
0x6a: {  	vm6 =	vlt.f32 v26, v3;
	v3 =	vsel vm5, $0x1, v0;
	v4 =	vadd.s32 v54, v16;
	[tilespmem:s23+$0x8110] =	vst v12;
	v55 =	vld.idx.msk [tilespmem:v29+s3+$0x0], $0xffff  }
0x6b: {  	vm7 =	vlt.f32 v23, v2;
	v2 =	vsel vm6, $0x1, v0;
	v3 =	vadd.s32 v3, v13;
	[tilespmem:s23+$0x8120] =	vst v4;
	v56 =	vld.idx.msk [tilespmem:v47+s3+$0x0], $0xffff  }
0x6c: {  	vm8 =	vlt.f32 v25, v1;
	v1 =	vsel vm7, $0x1, v0;
	v2 =	vadd.s32 v2, v10;
	[tilespmem:s23+$0x8130] =	vst v3;
	v57 =	vld.idx.msk [tilespmem:v30+s3+$0x0], $0xffff  }
0x6d: {  	v58 =	vsel vm8, $0x1, v0;
	vm2 =	vlt.f32 v28, v20;
	v1 =	vadd.s32 v1, v9;
	[tilespmem:s23+$0x8140] =	vst v2;
	v3 =	vld.idx.msk [tilespmem:v48+s3+$0x0], $0xffff  }
0x6e: {  	v59 =	vadd.s32 v58, v8;
	v20 =	vsel vm2, $0x1, v0;
	[tilespmem:s23+$0x8150] =	vst v1;
	v2 =	vld.idx.msk [tilespmem:v49+s3+$0x0], $0xffff;
	vm9 =	vlt.f32 v53, v7  }
0x6f: {  	[tilespmem:s23+$0x8160] =	vst v59;
	v20 =	vadd.s32 v20, v21;
	v1 =	vld.idx.msk [tilespmem:v51+s3+$0x0], $0xffff;
	vm10 =	vlt.f32 v55, v6;
	v60 =	vsel vm9, $0x1, v0  }
0x70: {  	[tilespmem:s24+$0x8170] =	vst v20;
	vm11 =	vlt.f32 v56, v19;
	v61 =	vsel vm10, $0x1, v0;
	v6 =	vadd.s32 v60, v22  }
0x71: {  	vm12 =	vlt.f32 v57, v17;
	v62 =	vsel vm11, $0x1, v0;
	v63 =	vadd.s32 v61, v29;
	[tilespmem:s24+$0x8100] =	vst v6  }
0x72: {  	vm13 =	vlt.f32 v3, v14;
	v3 =	vsel vm12, $0x1, v0;
	v4 =	vadd.s32 v62, v47;
	[tilespmem:s24+$0x8110] =	vst v63  }
0x73: {  	p1 =	sne.s32 s21, $0xF;
	vm14 =	vlt.f32 v2, v11;
	v2 =	vsel vm13, $0x1, v0;
	v3 =	vadd.s32 v3, v30;
	[tilespmem:s24+$0x8120] =	vst v4  }
.Ltmp3:
0x74: {  	vm15 =	vlt.f32 v1, v18;
	v1 =	vsel vm14, $0x1, v0;
	v2 =	vadd.s32 v2, v48;
	[tilespmem:s24+$0x8130] =	vst v3;
	(pc) =	sbr.rel @p1 .LBB2_6-.Ltmp3, $4  }
0x75: {  	v1 =	vadd.s32 v1, v49;
	v3 =	vsel vm15, $0x1, v0;
	[tilespmem:s24+$0x8140] =	vst v2  }
0x76: {  	[tilespmem:s24+$0x8150] =	vst v1;
	v2 =	vadd.s32 v3, v51  }
0x77: {  	s31 =	sadd.s32 s22, s6;
	[tilespmem:s24+$0x8160] =	vst v2  }
0x78: {  	[hbm4b:s31+s3] =	stream.linear.scatter [tilespmem:s15], [sflag:$0x3], $0x4000, $0x38;
	[tilespmem:$0x10100] =	vst v63  }
.Ltmp4:
0x79: {  	(pc) =	sbr.rel .LBB2_7-.Ltmp4, $4  }
0x7a: {  	_ = 	snop  }
0x7b: {  	_ =	swait.ge [sflag:s16], $0x4000  }
0x7c: {  	[sflag:s16] =	ssyncset.done $0x0  }
0x7d: {  	[sflag:s16] =	ssyncadd.s32 $0xFFFFC000  }
.LBB2_6:
.Ltmp5:
0x7e: {  	s23 =	sadd.s32 s22, s7;
	(pc) =	sbr.rel @p0 .LBB2_8-.Ltmp5, $4  }
0x7f: {  	[tilespmem:s12], [sflag:$0x1] =	stream.linear.gather [hbm4b:s23+s3], $0x4000, $0x38;
	[tilespmem:$0x10100] =	vst v63  }
0x80: {  	_ =	swait.ge [sflag:s16], $0x4000  }
0x81: {  	[sflag:s16] =	ssyncset.done $0x0  }
0x82: {  	[sflag:s16] =	ssyncadd.s32 $0xFFFFC000  }
.LBB2_7:
0x83: {  	_ =	swait.ge [sflag:s17], $0x4000  }
0x84: {  	[sflag:s17] =	ssyncset.done $0x0  }
0x85: {  	[sflag:s17] =	ssyncadd.s32 $0xFFFFC000  }
.LBB2_8:
0x86: {  	s23 =	simm.s32 $0x0  }
0x87: {  	s24 =	sand.u32 $0x3000, s23;
	s25 =	sand.u32 $0xC00, s23  }
0x88: {  	s23 =	sand.u32 $0x380, s23;
	s24 =	sor.u32 s25, s24  }
0x89: {  	s23 =	sor.u32 s23, s24  }
0x8a: {  	v11 =	vld [tilespmem:s23+$0x4170]  }
0x8b: {  	v27 =	vld [tilespmem:s23+$0x4100]  }
0x8c: {  	v35 =	vld [tilespmem:s23+$0x4110]  }
0x8d: {  	v5 =	vld [tilespmem:s23+$0x4120]  }
0x8e: {  	v4 =	vld [tilespmem:s23+$0x4130]  }
0x8f: {  	v2 =	vld [tilespmem:s23+$0x4150]  }
0x90: {  	v3 =	vld [tilespmem:s23+$0x4140]  }
0x91: {  	v1 =	vmul.f32 $4.058451080e+01, v11  }
0x92: {  	v6 =	vmul.f32 $4.058451080e+01, v27;
	v8 =	vmul.f32 $4.058451080e+01, v35  }
0x93: {  	v9 =	vmul.f32 $4.058451080e+01, v5;
	v10 =	vmul.f32 $4.058451080e+01, v4  }
0x94: {  	v13 =	vmul.f32 $4.058451080e+01, v2;
	v7 =	vadd.f32 $5.000000000e-01, v1;
	v6 =	vadd.f32 $5.000000000e-01, v6  }
0x95: {  	v12 =	vmul.f32 $4.058451080e+01, v3;
	v8 =	vadd.f32 $5.000000000e-01, v8;
	v9 =	vadd.f32 $5.000000000e-01, v9  }
0x96: {  	v1 =	vld [tilespmem:s23+$0x4160];
	v10 =	vadd.f32 $5.000000000e-01, v10;
	v13 =	vadd.f32 $5.000000000e-01, v13;
	v7 =	vmax.f32 v7, $0.0e+00  }
0x97: {  	s31 =	simm.s32 $0x400;
	s30 =	simm.s32 $0x80;
	v6 =	vmax.f32 v6, $0.0e+00;
	v8 =	vmax.f32 v8, $0.0e+00;
	v7 =	vmin.f32 v7, $2.550000000e+02  }
0x98: {  	s26 =	simm.s32 $0x20;
	s25 =	sand.u32 $0x3000, s30;
	s24 =	sand.u32 $0xC00, s31;
	v9 =	vmax.f32 v9, $0.0e+00;
	v10 =	vmax.f32 v10, $0.0e+00;
	v7 =	vtrunc.f32 v7  }
0x99: {  	s31 =	sand.u32 $0x380, s26;
	s24 =	sor.u32 s24, s25;
	v13 =	vmax.f32 v13, $0.0e+00;
	v6 =	vmin.f32 v6, $2.550000000e+02;
	v21 =	vcvt.f32.s32 v7  }
0x9a: {  	s24 =	sor.u32 s31, s24;
	v8 =	vmin.f32 v8, $2.550000000e+02;
	v9 =	vmin.f32 v9, $2.550000000e+02;
	v10 =	vmin.f32 v10, $2.550000000e+02  }
0x9b: {  	v20 =	vld [tilespmem:s24+$0x4170];
	v6 =	vtrunc.f32 v6;
	v7 =	vadd.f32 $5.000000000e-01, v12;
	v12 =	vmul.f32 $4.058451080e+01, v1  }
0x9c: {  	v13 =	vmin.f32 v13, $2.550000000e+02;
	v8 =	vtrunc.f32 v8;
	v9 =	vtrunc.f32 v9  }
0x9d: {  	v19 =	vld [tilespmem:s24+$0x4120];
	v10 =	vtrunc.f32 v10;
	v15 =	vcvt.f32.s32 v6;
	v12 =	vadd.f32 $5.000000000e-01, v12  }
0x9e: {  	v17 =	vld [tilespmem:s24+$0x4130];
	v22 =	vtrunc.f32 v13;
	v16 =	vcvt.f32.s32 v9;
	v7 =	vmax.f32 v7, $0.0e+00  }
0x9f: {  	v9 =	vcvt.f32.s32 v22;
	v7 =	vmin.f32 v7, $2.550000000e+02;
	v12 =	vmax.f32 v12, $0.0e+00;
	v18 =	vld.idx.msk [tilespmem:v21+s3+$0x0], $0xffff  }
0xa0: {  	v6 =	vld [tilespmem:s24+$0x4110];
	v22 =	vmul.f32 $4.058451080e+01, v20;
	v14 =	vtrunc.f32 v7;
	v12 =	vmin.f32 v12, $2.550000000e+02  }
0xa1: {  	v7 =	vld [tilespmem:s24+$0x4100];
	v23 =	vtrunc.f32 v12;
	v12 =	vcvt.f32.s32 v8  }
0xa2: {  	v13 =	vcvt.f32.s32 v10;
	v22 =	vadd.f32 $5.000000000e-01, v22;
	v10 =	vcvt.f32.s32 v14;
	v14 =	vld [tilespmem:s24+$0x4140]  }
0xa3: {  	v36 =	vld.idx.msk [tilespmem:v15+s3+$0x0], $0xffff  }
0xa4: {  	v22 =	vmax.f32 v22, $0.0e+00;
	vm0 =	vlt.f32 v18, v11;
	v11 =	vld [tilespmem:s24+$0x4150]  }
0xa5: {  	v25 =	vmul.f32 $4.058451080e+01, v6;
	v22 =	vmin.f32 v22, $2.550000000e+02;
	v18 =	vld [tilespmem:s24+$0x4160];
	v24 =	vsel vm0, $0x1, v0  }
0xa6: {  	v8 =	vcvt.f32.s32 v23;
	v30 =	vadd.s32 v24, v21;
	v21 =	vmul.f32 $4.058451080e+01, v19  }
0xa7: {  	v23 =	vmul.f32 $4.058451080e+01, v7;
	v37 =	vld.idx.msk [tilespmem:v12+s3+$0x0], $0xffff;
	v24 =	vadd.f32 $5.000000000e-01, v25;
	v25 =	vmul.f32 $4.058451080e+01, v17  }
0xa8: {  	v22 =	vtrunc.f32 v22;
	v26 =	vadd.f32 $5.000000000e-01, v21;
	v21 =	vmul.f32 $4.058451080e+01, v14  }
0xa9: {  	v23 =	vadd.f32 $5.000000000e-01, v23;
	vm0 =	vlt.f32 v36, v27;
	v25 =	vadd.f32 $5.000000000e-01, v25  }
0xaa: {  	v28 =	vmul.f32 $4.058451080e+01, v11;
	v31 =	vmul.f32 $4.058451080e+01, v18;
	v29 =	vadd.f32 $5.000000000e-01, v21  }
0xab: {  	v21 =	vcvt.f32.s32 v22;
	v22 =	vmax.f32 v23, $0.0e+00;
	v23 =	vmax.f32 v24, $0.0e+00  }
0xac: {  	v32 =	vmax.f32 v25, $0.0e+00;
	vm1 =	vlt.f32 v37, v35;
	v24 =	vadd.f32 $5.000000000e-01, v28  }
0xad: {  	v28 =	vmax.f32 v26, $0.0e+00;
	v25 =	vadd.f32 $5.000000000e-01, v31;
	v26 =	vld.idx.msk [tilespmem:v16+s3+$0x0], $0xffff;
	v23 =	vmin.f32 v23, $2.550000000e+02  }
0xae: {  	v31 =	vmin.f32 v22, $2.550000000e+02;
	v38 =	vmin.f32 v28, $2.550000000e+02;
	v28 =	vtrunc.f32 v23;
	v23 =	vld.idx.msk [tilespmem:v8+s3+$0x0], $0xffff  }
0xaf: {  	v39 =	vmin.f32 v32, $2.550000000e+02;
	v22 =	vmax.f32 v29, $0.0e+00;
	v29 =	vmax.f32 v24, $0.0e+00;
	v24 =	vld.idx.msk [tilespmem:v13+s3+$0x0], $0xffff  }
0xb0: {  	v33 =	vtrunc.f32 v31;
	v34 =	vmax.f32 v25, $0.0e+00;
	v25 =	vld.idx.msk [tilespmem:v10+s3+$0x0], $0xffff;
	v40 =	vmin.f32 v22, $2.550000000e+02  }
0xb1: {  	s28 =	simm.s32 $0x800;
	v32 =	vtrunc.f32 v38;
	v41 =	vmin.f32 v29, $2.550000000e+02;
	v29 =	vtrunc.f32 v39;
	v27 =	vld.idx.msk [tilespmem:v21+s3+$0x0], $0xffff  }
0xb2: {  	s29 =	simm.s32 $0x100;
	s26 =	simm.s32 $0x40;
	s25 =	simm.s32 $0x8;
	[tilespmem:s23+$0xC170] =	vst v30;
	v22 =	vld.idx.msk [tilespmem:v9+s3+$0x0], $0xffff;
	v34 =	vmin.f32 v34, $2.550000000e+02;
	v31 =	vtrunc.f32 v40;
	v30 =	vtrunc.f32 v41  }
.LBB2_9:
0xb3: {  	s30 =	sand.u32 $0x3000, s29;
	s31 =	sand.u32 $0xC00, s28;
	s25 =	sadd.s32 $0x8, s25;
	v33 =	vcvt.f32.s32 v33;
	v34 =	vtrunc.f32 v34;
	vm2 =	vlt.f32 v26, v5;
	v5 =	vmovc v19  }
0xb4: {  	v26 =	vcvt.f32.s32 v28;
	v28 =	vcvt.f32.s32 v32;
	vm3 =	vlt.f32 v24, v4;
	v4 =	vmovc v17;
	s30 =	sor.u32 s31, s30;
	s31 =	sand.u32 $0x380, s26;
	p0 =	slt.u32 s25, $0x3F8  }
0xb5: {  	v24 =	vcvt.f32.s32 v29;
	v29 =	vcvt.f32.s32 v31;
	vm4 =	vlt.f32 v25, v3;
	v3 =	vmovc v14;
	s30 =	sor.u32 s31, s30  }
0xb6: {  	v25 =	vcvt.f32.s32 v30;
	v30 =	vcvt.f32.s32 v34;
	vm5 =	vlt.f32 v27, v20;
	v20 =	vld [tilespmem:s30+$0x4170]  }
0xb7: {  	vm6 =	vlt.f32 v23, v1;
	v1 =	vmovc v18;
	v14 =	vsel vm5, $0x1, v0;
	vm5 =	vlt.f32 v22, v2;
	v2 =	vmovc v11;
	v31 =	vld [tilespmem:s30+$0x4100]  }
0xb8: {  	v18 =	vsel vm1, $0x1, v0;
	v11 =	vadd.s32 v14, v21;
	v14 =	vsel vm0, $0x1, v0;
	v35 =	vld [tilespmem:s30+$0x4110]  }
0xb9: {  	v22 =	vsel vm4, $0x1, v0;
	v21 =	vsel vm3, $0x1, v0;
	v19 =	vld [tilespmem:s30+$0x4120];
	[tilespmem:s24+$0xC170] =	vst v11;
	v11 =	vsel vm2, $0x1, v0  }
0xba: {  	v32 =	vsel vm6, $0x1, v0;
	v27 =	vsel vm5, $0x1, v0;
	v23 =	vadd.s32 v14, v15;
	v15 =	vmovc v33;
	v17 =	vld [tilespmem:s30+$0x4130]  }
0xbb: {  	v18 =	vadd.s32 v18, v12;
	v12 =	vmovc v26;
	v14 =	vld [tilespmem:s30+$0x4140];
	v34 =	vmul.f32 $4.058451080e+01, v20;
	[tilespmem:s23+$0xC100] =	vst v23;
	v23 =	vadd.s32 v11, v16  }
0xbc: {  	v22 =	vadd.s32 v22, v10;
	v21 =	vadd.s32 v21, v13;
	v16 =	vmovc v28;
	v36 =	vmul.f32 $4.058451080e+01, v31;
	v11 =	vld [tilespmem:s30+$0x4150];
	[tilespmem:s23+$0xC110] =	vst v18  }
0xbd: {  	v10 =	vmovc v29;
	v13 =	vmovc v24;
	v37 =	vmul.f32 $4.058451080e+01, v35;
	v18 =	vld [tilespmem:s30+$0x4160];
	v34 =	vadd.f32 $5.000000000e-01, v34;
	[tilespmem:s23+$0xC120] =	vst v23;
	v23 =	vadd.s32 v27, v9  }
0xbe: {  	v9 =	vmovc v25;
	v27 =	vadd.f32 $5.000000000e-01, v36;
	v29 =	vmul.f32 $4.058451080e+01, v19;
	v36 =	vld.idx.msk [tilespmem:v33+s3+$0x0], $0xffff;
	[tilespmem:s23+$0xC130] =	vst v21;
	v21 =	vadd.s32 v32, v8  }
0xbf: {  	v8 =	vmovc v30;
	v32 =	vadd.f32 $5.000000000e-01, v37;
	v25 =	vmul.f32 $4.058451080e+01, v17;
	v33 =	vmax.f32 v34, $0.0e+00;
	v37 =	vld.idx.msk [tilespmem:v26+s3+$0x0], $0xffff;
	[tilespmem:s23+$0xC140] =	vst v22  }
0xc0: {  	v29 =	vadd.f32 $5.000000000e-01, v29;
	v22 =	vmul.f32 $4.058451080e+01, v14;
	v30 =	vmin.f32 v33, $2.550000000e+02;
	v26 =	vld.idx.msk [tilespmem:v28+s3+$0x0], $0xffff;
	[tilespmem:s23+$0xC150] =	vst v23  }
0xc1: {  	v23 =	vadd.f32 $5.000000000e-01, v25;
	v28 =	vmul.f32 $4.058451080e+01, v11;
	v25 =	vtrunc.f32 v30;
	v24 =	vld.idx.msk [tilespmem:v24+s3+$0x0], $0xffff;
	[tilespmem:s23+$0xC160] =	vst v21;
	s23 =	smov.u32 s24;
	s24 =	smov.u32 s30  }
0xc2: {  	v30 =	vadd.f32 $5.000000000e-01, v22;
	v33 =	vmul.f32 $4.058451080e+01, v18;
	v21 =	vcvt.f32.s32 v25;
	v25 =	vld.idx.msk [tilespmem:v10+s3+$0x0], $0xffff  }
0xc3: {  	v27 =	vmax.f32 v27, $0.0e+00;
	v32 =	vmax.f32 v32, $0.0e+00;
	v28 =	vadd.f32 $5.000000000e-01, v28;
	v22 =	vld.idx.msk [tilespmem:v9+s3+$0x0], $0xffff  }
0xc4: {  	v29 =	vmax.f32 v29, $0.0e+00;
	v34 =	vmax.f32 v23, $0.0e+00;
	v33 =	vadd.f32 $5.000000000e-01, v33;
	v23 =	vld.idx.msk [tilespmem:v8+s3+$0x0], $0xffff  }
0xc5: {  	v27 =	vmin.f32 v27, $2.550000000e+02;
	v30 =	vmax.f32 v30, $0.0e+00;
	v28 =	vmax.f32 v28, $0.0e+00  }
.Ltmp6:
0xc6: {  	v32 =	vmin.f32 v32, $2.550000000e+02;
	v29 =	vmin.f32 v29, $2.550000000e+02;
	v38 =	vmax.f32 v33, $0.0e+00;
	(pc) =	sbr.rel @p0 .LBB2_9-.Ltmp6, $4  }
0xc7: {  	v39 =	vmin.f32 v34, $2.550000000e+02;
	v30 =	vmin.f32 v30, $2.550000000e+02;
	v40 =	vmin.f32 v28, $2.550000000e+02  }
0xc8: {  	v33 =	vtrunc.f32 v27;
	v28 =	vtrunc.f32 v32;
	v34 =	vmin.f32 v38, $2.550000000e+02;
	v27 =	vld.idx.msk [tilespmem:v21+s3+$0x0], $0xffff  }
0xc9: {  	vm0 =	vlt.f32 v36, v7;
	v7 =	vmovc v31;
	v32 =	vtrunc.f32 v29;
	v29 =	vtrunc.f32 v39  }
0xca: {  	s28 =	sadd.s32 $0x400, s28;
	s29 =	sadd.s32 $0x80, s29;
	s26 =	sadd.s32 $0x20, s26;
	vm1 =	vlt.f32 v37, v6;
	v6 =	vmovc v35;
	v31 =	vtrunc.f32 v30;
	v30 =	vtrunc.f32 v40  }
0xcb: {  	v33 =	vcvt.f32.s32 v33  }
0xcc: {  	v28 =	vcvt.f32.s32 v28  }
0xcd: {  	v32 =	vcvt.f32.s32 v32  }
0xce: {  	v34 =	vtrunc.f32 v34;
	v29 =	vcvt.f32.s32 v29;
	vm3 =	vlt.f32 v26, v5  }
0xcf: {  	v48 =	vcvt.f32.s32 v31;
	v49 =	vcvt.f32.s32 v30;
	v50 =	vsel vm0, $0x1, v0  }
0xd0: {  	v52 =	vsel vm1, $0x1, v0;
	vm5 =	vlt.f32 v24, v4;
	v15 =	vadd.s32 v50, v15  }
0xd1: {  	v51 =	vcvt.f32.s32 v34;
	v54 =	vsel vm3, $0x1, v0;
	v12 =	vadd.s32 v52, v12;
	[tilespmem:s23+$0xC100] =	vst v15;
	v53 =	vld.idx.msk [tilespmem:v33+s3+$0x0], $0xffff  }
0xd2: {  	vm6 =	vlt.f32 v25, v3;
	v3 =	vsel vm5, $0x1, v0;
	v4 =	vadd.s32 v54, v16;
	[tilespmem:s23+$0xC110] =	vst v12;
	v55 =	vld.idx.msk [tilespmem:v28+s3+$0x0], $0xffff  }
0xd3: {  	vm7 =	vlt.f32 v22, v2;
	v2 =	vsel vm6, $0x1, v0;
	v3 =	vadd.s32 v3, v13;
	[tilespmem:s23+$0xC120] =	vst v4;
	v56 =	vld.idx.msk [tilespmem:v32+s3+$0x0], $0xffff  }
0xd4: {  	vm8 =	vlt.f32 v23, v1;
	v1 =	vsel vm7, $0x1, v0;
	v2 =	vadd.s32 v2, v10;
	[tilespmem:s23+$0xC130] =	vst v3;
	v57 =	vld.idx.msk [tilespmem:v29+s3+$0x0], $0xffff  }
0xd5: {  	v58 =	vsel vm8, $0x1, v0;
	vm2 =	vlt.f32 v27, v20;
	v1 =	vadd.s32 v1, v9;
	[tilespmem:s23+$0xC140] =	vst v2;
	v3 =	vld.idx.msk [tilespmem:v48+s3+$0x0], $0xffff  }
0xd6: {  	v59 =	vadd.s32 v58, v8;
	v20 =	vsel vm2, $0x1, v0;
	[tilespmem:s23+$0xC150] =	vst v1;
	v2 =	vld.idx.msk [tilespmem:v49+s3+$0x0], $0xffff;
	vm9 =	vlt.f32 v53, v7  }
0xd7: {  	[tilespmem:s23+$0xC160] =	vst v59;
	v20 =	vadd.s32 v20, v21;
	v1 =	vld.idx.msk [tilespmem:v51+s3+$0x0], $0xffff;
	vm10 =	vlt.f32 v55, v6;
	v60 =	vsel vm9, $0x1, v0  }
0xd8: {  	[tilespmem:s24+$0xC170] =	vst v20;
	vm11 =	vlt.f32 v56, v19;
	v61 =	vsel vm10, $0x1, v0;
	v6 =	vadd.s32 v60, v33  }
0xd9: {  	vm12 =	vlt.f32 v57, v17;
	v62 =	vsel vm11, $0x1, v0;
	v63 =	vadd.s32 v61, v28;
	[tilespmem:s24+$0xC100] =	vst v6  }
0xda: {  	vm13 =	vlt.f32 v3, v14;
	v3 =	vsel vm12, $0x1, v0;
	v4 =	vadd.s32 v62, v32;
	[tilespmem:s24+$0xC110] =	vst v63  }
0xdb: {  	p0 =	seq.s32 s21, $0xF;
	vm14 =	vlt.f32 v2, v11;
	v2 =	vsel vm13, $0x1, v0;
	v3 =	vadd.s32 v3, v29;
	[tilespmem:s24+$0xC120] =	vst v4  }
.Ltmp7:
0xdc: {  	vm15 =	vlt.f32 v1, v18;
	v1 =	vsel vm14, $0x1, v0;
	v2 =	vadd.s32 v2, v48;
	[tilespmem:s24+$0xC130] =	vst v3;
	(pc) =	sbr.rel @p0 .LBB2_12-.Ltmp7, $4  }
0xdd: {  	v1 =	vadd.s32 v1, v49;
	v3 =	vsel vm15, $0x1, v0;
	[tilespmem:s24+$0xC140] =	vst v2  }
0xde: {  	[tilespmem:s24+$0xC150] =	vst v1;
	v2 =	vadd.s32 v3, v51  }
0xdf: {  	s31 =	sadd.s32 s10, s22;
	[tilespmem:s24+$0xC160] =	vst v2  }
0xe0: {  	[hbm4b:s31+s3] =	stream.linear.scatter [tilespmem:s18], [sflag:$0x4], $0x4000, $0x38;
	[tilespmem:$0x10100] =	vst v63  }
.Ltmp8:
0xe1: {  	(pc) =	sbr.rel .LBB2_2-.Ltmp8, $3  }
0xe2: {  	_ =	sdelay $0x1  }
0xe3: {  	s22 =	sadd.s32 s22, s8;
	s21 =	sadd.s32 $0x1, s21  }
0xe4: {  	[tilespmem:s13], [sflag:$0x2] =	stream.linear.gather [hbm4b:s22+s3], $0x4000, $0x38;
	[tilespmem:$0x10100] =	vst v63  }
.LBB2_13:
0xe5: {  	_ =	sfence.sel $0x180000  }
0xe6: {  	[bflag:$0x0] =	sbarrier.arrive $0xFFFF  }
0xe7: {  	p0 =	sne.s32 s1, $0x0;
	_ =	strace $0x90000047  }
0xe8: {  	s0 =	sadd.s32 @!p0 $0x100000, s0;
	[bflag:$0x2] =	sbarrier.arrive $0xFFFF  }
0xe9: {  	[sflag:s0] =	ssyncadd.tile.s32 @!p0 $0x1;
	_ =	shalt  }
.Lfunc_end2:
_tile_overlayer_lowered:
.L_overlay_start_2:
0xea: {  	(tag) =	ssettag $0x2  }
0xeb: {  	s0 =	rddreg [dreg:$0x0];
	s2 =	stileid.u32  }
0xec: {  	s1 =	rddreg [dreg:$0x1];
	p0 =	sne.s32 s2, $0x0  }
0xed: {  	s3 =	rddreg [dreg:$0x2];
	[bflag:$0x3] =	sbarrier.arrive $0xFFFF;
	s2 =	simm.s32 @!p0 $0x1C05  }
0xee: {  	[timem:s3], [sflag:s2] =	dma.local @!p0 [hbm:s0], s1  }
0xef: {  	s0 =	simm.s32 @!p0 $0x5  }
0xf0: {  	_ =	swait.ge @!p0 [sflag:s0], s1  }
0xf1: {  	s1 =	ssub.s32 @!p0 $0x0, s1;
	[sflag:s0] =	ssyncset.done @!p0 $0x0  }
0xf2: {  	[sflag:s0] =	ssyncadd.s32 @!p0 s1  }
0xf3: {  	[bflag:$0x3] =	sbarrier.arrive $0xFFFF  }
0xf4: {  	_ =	shalt  }

</sc_bundles>
